<compile_context>
chip_gen: v7x
topology: tpu7x:2x2x1
jax: 0.10.2.dev20260603
libtpu: 0.0.44.dev20260713+nightly
codegen_flags: <defaults>
</compile_context>

<pallas_src>
import functools
import jax
import jax.numpy as jnp
from jax import lax
from jax.experimental import pallas as pl
from jax.experimental.pallas import tpu as pltpu
from jax.experimental.pallas import tpu_sc as plsc

BATCH = 2048
IN_DIM = 4096
OUT_DIM = 8192
L = 16
NW = 32
ROWS_PER_W = BATCH // NW
R = 4
NBLK = ROWS_PER_W // R
NGC = OUT_DIM // L


def _sc_body(x_hbm, la_hbm, lb_hbm, ia_hbm, ib_hbm, out_hbm,
             ia_v, ib_v, ca_v, sa_v, cb_v, sb_v, xblk_v, oblk_v):
    wid = lax.axis_index("s") * 2 + lax.axis_index("c")
    row_base = wid * ROWS_PER_W

    pltpu.sync_copy(ia_hbm, ia_v)
    pltpu.sync_copy(ib_hbm, ib_v)
    pltpu.sync_copy(la_hbm, ca_v)
    pltpu.sync_copy(lb_hbm, cb_v)

    def init_consts(gc, _):
        s = pl.ds(gc * L, L)
        la = ca_v[s]
        lb = cb_v[s]
        ca = jnp.where(la > 0.0, 1.0, 0.0)
        cb = jnp.where(lb > 0.0, 1.0, 0.0)
        ca_v[s] = ca
        sa_v[s] = 1.0 - 2.0 * ca
        cb_v[s] = cb
        sb_v[s] = 1.0 - 2.0 * cb
        return 0

    lax.fori_loop(0, NGC, init_consts, 0)

    def do_block(blk, _):
        row0 = row_base + blk * R
        pltpu.sync_copy(x_hbm.at[pl.ds(row0 * IN_DIM, R * IN_DIM)], xblk_v)

        def do_chunk(gc, _):
            s = pl.ds(gc * L, L)
            ia = ia_v[s]
            ib = ib_v[s]
            ca = ca_v[s]
            sa = sa_v[s]
            cb = cb_v[s]
            sb = sb_v[s]
            for r in range(R):
                a = plsc.load_gather(xblk_v, [ia + (r * IN_DIM)])
                b = plsc.load_gather(xblk_v, [ib + (r * IN_DIM)])
                oblk_v[pl.ds(r * OUT_DIM + gc * L, L)] = (
                    (ca + sa * a) * (cb + sb * b))
            return 0

        lax.fori_loop(0, NGC, do_chunk, 0)
        pltpu.sync_copy(oblk_v, out_hbm.at[pl.ds(row0 * OUT_DIM, R * OUT_DIM)])
        return 0

    lax.fori_loop(0, NBLK, do_block, 0)


@jax.jit
def kernel(x, negation_logits, idx_a, idx_b):
    la = negation_logits[:, 0].copy()
    lb = negation_logits[:, 1].copy()
    mesh = plsc.VectorSubcoreMesh(core_axis_name="c", subcore_axis_name="s")
    f = pl.kernel(
        _sc_body,
        out_type=jax.ShapeDtypeStruct((BATCH * OUT_DIM,), jnp.float32),
        mesh=mesh,
        compiler_params=pltpu.CompilerParams(needs_layout_passes=False),
        scratch_types=[
            pltpu.VMEM((OUT_DIM,), jnp.int32),
            pltpu.VMEM((OUT_DIM,), jnp.int32),
            pltpu.VMEM((OUT_DIM,), jnp.float32),
            pltpu.VMEM((OUT_DIM,), jnp.float32),
            pltpu.VMEM((OUT_DIM,), jnp.float32),
            pltpu.VMEM((OUT_DIM,), jnp.float32),
            pltpu.VMEM((R * IN_DIM,), jnp.float32),
            pltpu.VMEM((R * OUT_DIM,), jnp.float32),
        ],
    )
    out = f(x.reshape(-1), la, lb, idx_a, idx_b)
    return out.reshape(BATCH, OUT_DIM)

# --- scband reference (transcript-rebuilt; emitter-appended) ---
"""Pipeline reference for scband-logic-layer-70961449665053 (READ-ONLY COPY).

The authoritative reference and input builder live on the scoring server;
editing this copy changes nothing except your own understanding.
"""

import jax, jax.numpy as jnp
import numpy as np

BATCH = 2048
IN_DIM = 4096
OUT_DIM = 8192


def setup_inputs(seed: int = 0) -> dict:
    key = jax.random.key(seed)
    k1, k2 = jax.random.split(key, 2)
    x = jax.random.uniform(k1, (BATCH, IN_DIM), dtype=jnp.float32)
    # learned parameter: negation_logits [out_dim, 2]
    negation_logits = jax.random.normal(k2, (OUT_DIM, 2), dtype=jnp.float32)
    # 'random' connections, mirroring get_connections: c = randperm(2*out_dim) % in_dim; c = randperm(in_dim)[c]
    rng = np.random.default_rng(0)
    c = rng.permutation(2 * OUT_DIM) % IN_DIM
    c = rng.permutation(IN_DIM)[c]
    c = c.reshape(2, OUT_DIM)
    idx_a = jnp.asarray(c[0], dtype=jnp.int32)
    idx_b = jnp.asarray(c[1], dtype=jnp.int32)
    return {"x": x, "negation_logits": negation_logits, "idx_a": idx_a, "idx_b": idx_b}


def reference(x, negation_logits, idx_a, idx_b):
    # forward_python, training mode (module default), grad_factor == 1.0 so GradFactor is skipped
    a = jnp.take(x, idx_a, axis=-1)
    b = jnp.take(x, idx_b, axis=-1)
    p = jax.nn.sigmoid(negation_logits)
    p_hard = (p > 0.5).astype(jnp.float32)
    # straight-through estimator: p + (p_hard - p).detach()
    p_used = p + jax.lax.stop_gradient(p_hard - p)
    p_used = p_used[None, ...]
    a_mod = jnp.where(p_used[..., 0] == 1, 1.0 - a, a)
    b_mod = jnp.where(p_used[..., 1] == 1, 1.0 - b, b)
    out = a_mod * b_mod
    return out

if __name__ == "__main__":
    import jax
    _d = setup_inputs()
    print(jax.jit(kernel)(*tuple(_d.values())))

</pallas_src>

<mosaic_0001>
#map = affine_map<(d0, d1) -> (0)>
module attributes {stable_mosaic.version = 14 : i64} {
  func.func @_sc_body(%arg0: i32, %arg1: i32, %arg2: memref<8388608xf32, #tpu.memory_space<hbm>>, %arg3: memref<8192xf32, #tpu.memory_space<hbm>>, %arg4: memref<8192xf32, #tpu.memory_space<hbm>>, %arg5: memref<8192xi32, #tpu.memory_space<hbm>>, %arg6: memref<8192xi32, #tpu.memory_space<hbm>>, %arg7: memref<16777216xf32, #tpu.memory_space<hbm>>, %arg8: memref<8192xi32, #tpu.memory_space<vmem>>, %arg9: memref<8192xi32, #tpu.memory_space<vmem>>, %arg10: memref<8192xf32, #tpu.memory_space<vmem>>, %arg11: memref<8192xf32, #tpu.memory_space<vmem>>, %arg12: memref<8192xf32, #tpu.memory_space<vmem>>, %arg13: memref<8192xf32, #tpu.memory_space<vmem>>, %arg14: memref<16384xf32, #tpu.memory_space<vmem>>, %arg15: memref<32768xf32, #tpu.memory_space<vmem>>) attributes {dimension_semantics = [#tpu.dimension_semantics<core_parallel>, #tpu.dimension_semantics<subcore_parallel>], iteration_bounds = array<i64: 2, 16>, scalar_prefetch = 0 : i64, scratch_operands = 8 : i64, tpu.core_type = #tpu.core_type<sc_vector_subcore>, window_params = [{transform_indices = #map}, {transform_indices = #map}, {transform_indices = #map}, {transform_indices = #map}, {transform_indices = #map}, {transform_indices = #map}]} {
    %mul3A = arith.constant 2 : i32
    %mul3A_0 = arith.muli %arg1, %mul3A : i32
    %add3A = arith.addi %mul3A_0, %arg0 : i32
    %mul3A_1 = arith.constant 64 : i32
    %mul3A_2 = arith.muli %add3A, %mul3A_1 : i32
    "tpu.region"() ({
      %run_scoped3A = tpu.sem_alloc : memref<!tpu.dma_semaphore, #tpu.memory_space<semaphore_mem>>
      tpu.enqueue_dma source(%arg5 : memref<8192xi32, #tpu.memory_space<hbm>>) target(%arg8 : memref<8192xi32, #tpu.memory_space<vmem>>) target_semaphore(%run_scoped3A : memref<!tpu.dma_semaphore, #tpu.memory_space<semaphore_mem>>)
      tpu.wait_dma2 semaphore(%run_scoped3A : memref<!tpu.dma_semaphore, #tpu.memory_space<semaphore_mem>>) src(%arg5 : memref<8192xi32, #tpu.memory_space<hbm>>) dst(%arg8 : memref<8192xi32, #tpu.memory_space<vmem>>)
      tpu.yield
    }) : () -> ()
    "tpu.region"() ({
      %run_scoped3A = tpu.sem_alloc : memref<!tpu.dma_semaphore, #tpu.memory_space<semaphore_mem>>
      tpu.enqueue_dma source(%arg6 : memref<8192xi32, #tpu.memory_space<hbm>>) target(%arg9 : memref<8192xi32, #tpu.memory_space<vmem>>) target_semaphore(%run_scoped3A : memref<!tpu.dma_semaphore, #tpu.memory_space<semaphore_mem>>)
      tpu.wait_dma2 semaphore(%run_scoped3A : memref<!tpu.dma_semaphore, #tpu.memory_space<semaphore_mem>>) src(%arg6 : memref<8192xi32, #tpu.memory_space<hbm>>) dst(%arg9 : memref<8192xi32, #tpu.memory_space<vmem>>)
      tpu.yield
    }) : () -> ()
    "tpu.region"() ({
      %run_scoped3A = tpu.sem_alloc : memref<!tpu.dma_semaphore, #tpu.memory_space<semaphore_mem>>
      tpu.enqueue_dma source(%arg3 : memref<8192xf32, #tpu.memory_space<hbm>>) target(%arg10 : memref<8192xf32, #tpu.memory_space<vmem>>) target_semaphore(%run_scoped3A : memref<!tpu.dma_semaphore, #tpu.memory_space<semaphore_mem>>)
      tpu.wait_dma2 semaphore(%run_scoped3A : memref<!tpu.dma_semaphore, #tpu.memory_space<semaphore_mem>>) src(%arg3 : memref<8192xf32, #tpu.memory_space<hbm>>) dst(%arg10 : memref<8192xf32, #tpu.memory_space<vmem>>)
      tpu.yield
    }) : () -> ()
    "tpu.region"() ({
      %run_scoped3A = tpu.sem_alloc : memref<!tpu.dma_semaphore, #tpu.memory_space<semaphore_mem>>
      tpu.enqueue_dma source(%arg4 : memref<8192xf32, #tpu.memory_space<hbm>>) target(%arg12 : memref<8192xf32, #tpu.memory_space<vmem>>) target_semaphore(%run_scoped3A : memref<!tpu.dma_semaphore, #tpu.memory_space<semaphore_mem>>)
      tpu.wait_dma2 semaphore(%run_scoped3A : memref<!tpu.dma_semaphore, #tpu.memory_space<semaphore_mem>>) src(%arg4 : memref<8192xf32, #tpu.memory_space<hbm>>) dst(%arg12 : memref<8192xf32, #tpu.memory_space<vmem>>)
      tpu.yield
    }) : () -> ()
    %scan3A = arith.constant 0 : i32
    %scan3A_3 = arith.constant 0 : i32
    %scan3A_4 = arith.constant 512 : i32
    %scan3A_5 = arith.addi %scan3A_3, %scan3A_4 : i32
    %scan3A_6 = arith.constant 1 : i32
    %scan3A_7 = scf.for %scan3A_16 = %scan3A_3 to %scan3A_5 step %scan3A_6 iter_args(%scan3A_17 = %scan3A) -> (i32)  : i32 {
      %mul3A_18 = arith.constant 16 : i32
      %mul3A_19 = arith.muli %scan3A_16, %mul3A_18 : i32
      %get3A = arith.index_cast %mul3A_19 : i32 to index
      %get3A_20 = tpu.vector_load %arg10[%get3A] {strides = array<i32>} : memref<8192xf32, #tpu.memory_space<vmem>>, vector<16xf32>,
      %get3A_21 = arith.index_cast %mul3A_19 : i32 to index
      %get3A_22 = tpu.vector_load %arg12[%get3A_21] {strides = array<i32>} : memref<8192xf32, #tpu.memory_space<vmem>>, vector<16xf32>,
      %gt3A = arith.constant 0.000000e+00 : f32
      %gt3A_23 = vector.broadcast %gt3A : f32 to vector<16xf32>
      %gt3A_24 = arith.cmpf ogt, %get3A_20, %gt3A_23 : vector<16xf32>
      %jit3A = arith.constant 1.000000e+00 : f32
      %jit3A_25 = arith.constant 0.000000e+00 : f32
      %broadcast_in_dim3A = vector.broadcast %jit3A : f32 to vector<16xf32>
      %broadcast_in_dim3A_26 = vector.broadcast %jit3A_25 : f32 to vector<16xf32>
      %select_n3A = arith.select %gt3A_24, %broadcast_in_dim3A, %broadcast_in_dim3A_26 : vector<16xi1>, vector<16xf32>
      %gt3A_27 = arith.constant 0.000000e+00 : f32
      %gt3A_28 = vector.broadcast %gt3A_27 : f32 to vector<16xf32>
      %gt3A_29 = arith.cmpf ogt, %get3A_22, %gt3A_28 : vector<16xf32>
      %jit3A_30 = arith.constant 1.000000e+00 : f32
      %jit3A_31 = arith.constant 0.000000e+00 : f32
      %broadcast_in_dim3A_32 = vector.broadcast %jit3A_30 : f32 to vector<16xf32>
      %broadcast_in_dim3A_33 = vector.broadcast %jit3A_31 : f32 to vector<16xf32>
      %select_n3A_34 = arith.select %gt3A_29, %broadcast_in_dim3A_32, %broadcast_in_dim3A_33 : vector<16xi1>, vector<16xf32>
      %swap3A = arith.index_cast %mul3A_19 : i32 to index
      %swap3A_35 = tpu.vector_load %arg10[%swap3A] {strides = array<i32>} : memref<8192xf32, #tpu.memory_space<vmem>>, vector<16xf32>,
      tpu.vector_store %arg10[%swap3A], %select_n3A {strides = array<i32>} : memref<8192xf32, #tpu.memory_space<vmem>>, vector<16xf32>,
      %mul3A_36 = arith.constant 2.000000e+00 : f32
      %mul3A_37 = vector.broadcast %mul3A_36 : f32 to vector<16xf32>
      %mul3A_38 = arith.mulf %mul3A_37, %select_n3A : vector<16xf32>
      %sub3A = arith.constant 1.000000e+00 : f32
      %sub3A_39 = vector.broadcast %sub3A : f32 to vector<16xf32>
      %sub3A_40 = arith.subf %sub3A_39, %mul3A_38 : vector<16xf32>
      %swap3A_41 = arith.index_cast %mul3A_19 : i32 to index
      %swap3A_42 = tpu.vector_load %arg11[%swap3A_41] {strides = array<i32>} : memref<8192xf32, #tpu.memory_space<vmem>>, vector<16xf32>,
      tpu.vector_store %arg11[%swap3A_41], %sub3A_40 {strides = array<i32>} : memref<8192xf32, #tpu.memory_space<vmem>>, vector<16xf32>,
      %swap3A_43 = arith.index_cast %mul3A_19 : i32 to index
      %swap3A_44 = tpu.vector_load %arg12[%swap3A_43] {strides = array<i32>} : memref<8192xf32, #tpu.memory_space<vmem>>, vector<16xf32>,
      tpu.vector_store %arg12[%swap3A_43], %select_n3A_34 {strides = array<i32>} : memref<8192xf32, #tpu.memory_space<vmem>>, vector<16xf32>,
      %mul3A_45 = arith.constant 2.000000e+00 : f32
      %mul3A_46 = vector.broadcast %mul3A_45 : f32 to vector<16xf32>
      %mul3A_47 = arith.mulf %mul3A_46, %select_n3A_34 : vector<16xf32>
      %sub3A_48 = arith.constant 1.000000e+00 : f32
      %sub3A_49 = vector.broadcast %sub3A_48 : f32 to vector<16xf32>
      %sub3A_50 = arith.subf %sub3A_49, %mul3A_47 : vector<16xf32>
      %swap3A_51 = arith.index_cast %mul3A_19 : i32 to index
      %swap3A_52 = tpu.vector_load %arg13[%swap3A_51] {strides = array<i32>} : memref<8192xf32, #tpu.memory_space<vmem>>, vector<16xf32>,
      tpu.vector_store %arg13[%swap3A_51], %sub3A_50 {strides = array<i32>} : memref<8192xf32, #tpu.memory_space<vmem>>, vector<16xf32>,
      %scan3A_53 = arith.constant 0 : i32
      scf.yield %scan3A_53 : i32
    }
    %scan3A_8 = arith.constant 512 : i32
    %scan3A_9 = arith.constant 0 : i32
    %scan3A_10 = arith.constant 0 : i32
    %scan3A_11 = arith.constant 16 : i32
    %scan3A_12 = arith.addi %scan3A_10, %scan3A_11 : i32
    %scan3A_13 = arith.constant 1 : i32
    %scan3A_14 = scf.for %scan3A_16 = %scan3A_10 to %scan3A_12 step %scan3A_13 iter_args(%scan3A_17 = %scan3A_9) -> (i32)  : i32 {
      %mul3A_18 = arith.constant 4 : i32
      %mul3A_19 = arith.muli %scan3A_16, %mul3A_18 : i32
      %add3A_20 = arith.addi %mul3A_2, %mul3A_19 : i32
      %mul3A_21 = arith.constant 4096 : i32
      %mul3A_22 = arith.muli %add3A_20, %mul3A_21 : i32
      "tpu.region"() ({
        %run_scoped3A = tpu.sem_alloc : memref<!tpu.dma_semaphore, #tpu.memory_space<semaphore_mem>>
        %dma_start3A = tpu.memref_slice %arg2[%mul3A_22] : memref<8388608xf32, #tpu.memory_space<hbm>> -> memref<16384xf32, #tpu.memory_space<hbm>>
        %dma_start3A_33 = tpu.memref_slice %arg2[%mul3A_22] : memref<8388608xf32, #tpu.memory_space<hbm>> -> memref<16384xf32, #tpu.memory_space<hbm>>
        tpu.enqueue_dma source(%dma_start3A_33 : memref<16384xf32, #tpu.memory_space<hbm>>) target(%arg14 : memref<16384xf32, #tpu.memory_space<vmem>>) target_semaphore(%run_scoped3A : memref<!tpu.dma_semaphore, #tpu.memory_space<semaphore_mem>>)
        %dma_wait3A = tpu.memref_slice %arg2[%mul3A_22] : memref<8388608xf32, #tpu.memory_space<hbm>> -> memref<16384xf32, #tpu.memory_space<hbm>>
        %dma_wait3A_34 = tpu.memref_slice %arg2[%mul3A_22] : memref<8388608xf32, #tpu.memory_space<hbm>> -> memref<16384xf32, #tpu.memory_space<hbm>>
        tpu.wait_dma2 semaphore(%run_scoped3A : memref<!tpu.dma_semaphore, #tpu.memory_space<semaphore_mem>>) src(%dma_wait3A_34 : memref<16384xf32, #tpu.memory_space<hbm>>) dst(%arg14 : memref<16384xf32, #tpu.memory_space<vmem>>)
        tpu.yield
      }) : () -> ()
      %scan3A_23 = arith.constant 0 : i32
      %scan3A_24 = arith.constant 0 : i32
      %scan3A_25 = arith.constant 512 : i32
      %scan3A_26 = arith.addi %scan3A_24, %scan3A_25 : i32
      %scan3A_27 = arith.constant 1 : i32
      %scan3A_28 = scf.for %scan3A_33 = %scan3A_24 to %scan3A_26 step %scan3A_27 iter_args(%scan3A_34 = %scan3A_23) -> (i32)  : i32 {
        %mul3A_35 = arith.constant 16 : i32
        %mul3A_36 = arith.muli %scan3A_33, %mul3A_35 : i32
        %get3A = arith.index_cast %mul3A_36 : i32 to index
        %get3A_37 = tpu.vector_load %arg8[%get3A] {strides = array<i32>} : memref<8192xi32, #tpu.memory_space<vmem>>, vector<16xi32>,
        %get3A_38 = arith.index_cast %mul3A_36 : i32 to index
        %get3A_39 = tpu.vector_load %arg9[%get3A_38] {strides = array<i32>} : memref<8192xi32, #tpu.memory_space<vmem>>, vector<16xi32>,
        %get3A_40 = arith.index_cast %mul3A_36 : i32 to index
        %get3A_41 = tpu.vector_load %arg10[%get3A_40] {strides = array<i32>} : memref<8192xf32, #tpu.memory_space<vmem>>, vector<16xf32>,
        %get3A_42 = arith.index_cast %mul3A_36 : i32 to index
        %get3A_43 = tpu.vector_load %arg11[%get3A_42] {strides = array<i32>} : memref<8192xf32, #tpu.memory_space<vmem>>, vector<16xf32>,
        %get3A_44 = arith.index_cast %mul3A_36 : i32 to index
        %get3A_45 = tpu.vector_load %arg12[%get3A_44] {strides = array<i32>} : memref<8192xf32, #tpu.memory_space<vmem>>, vector<16xf32>,
        %get3A_46 = arith.index_cast %mul3A_36 : i32 to index
        %get3A_47 = tpu.vector_load %arg13[%get3A_46] {strides = array<i32>} : memref<8192xf32, #tpu.memory_space<vmem>>, vector<16xf32>,
        %add3A_48 = arith.constant 0 : i32
        %add3A_49 = vector.broadcast %add3A_48 : i32 to vector<16xi32>
        %add3A_50 = arith.addi %get3A_37, %add3A_49 : vector<16xi32>
        %gather3A = tpu.vector_load_idx %arg14[%add3A_50] : memref<16384xf32, #tpu.memory_space<vmem>>[vector<16xi32>], vector<16xf32>,
        %add3A_51 = arith.constant 0 : i32
        %add3A_52 = vector.broadcast %add3A_51 : i32 to vector<16xi32>
        %add3A_53 = arith.addi %get3A_39, %add3A_52 : vector<16xi32>
        %gather3A_54 = tpu.vector_load_idx %arg14[%add3A_53] : memref<16384xf32, #tpu.memory_space<vmem>>[vector<16xi32>], vector<16xf32>,
        %mul3A_55 = arith.mulf %get3A_43, %gather3A : vector<16xf32>
        %add3A_56 = arith.addf %get3A_41, %mul3A_55 : vector<16xf32>
        %mul3A_57 = arith.mulf %get3A_47, %gather3A_54 : vector<16xf32>
        %add3A_58 = arith.addf %get3A_45, %mul3A_57 : vector<16xf32>
        %mul3A_59 = arith.mulf %add3A_56, %add3A_58 : vector<16xf32>
        %mul3A_60 = arith.constant 16 : i32
        %mul3A_61 = arith.muli %scan3A_33, %mul3A_60 : i32
        %add3A_62 = arith.constant 0 : i32
        %add3A_63 = arith.addi %add3A_62, %mul3A_61 : i32
        %swap3A = arith.index_cast %add3A_63 : i32 to index
        %swap3A_64 = tpu.vector_load %arg15[%swap3A] {strides = array<i32>} : memref<32768xf32, #tpu.memory_space<vmem>>, vector<16xf32>,
        tpu.vector_store %arg15[%swap3A], %mul3A_59 {strides = array<i32>} : memref<32768xf32, #tpu.memory_space<vmem>>, vector<16xf32>,
        %add3A_65 = arith.constant 4096 : i32
        %add3A_66 = vector.broadcast %add3A_65 : i32 to vector<16xi32>
        %add3A_67 = arith.addi %get3A_37, %add3A_66 : vector<16xi32>
        %gather3A_68 = tpu.vector_load_idx %arg14[%add3A_67] : memref<16384xf32, #tpu.memory_space<vmem>>[vector<16xi32>], vector<16xf32>,
        %add3A_69 = arith.constant 4096 : i32
        %add3A_70 = vector.broadcast %add3A_69 : i32 to vector<16xi32>
        %add3A_71 = arith.addi %get3A_39, %add3A_70 : vector<16xi32>
        %gather3A_72 = tpu.vector_load_idx %arg14[%add3A_71] : memref<16384xf32, #tpu.memory_space<vmem>>[vector<16xi32>], vector<16xf32>,
        %mul3A_73 = arith.mulf %get3A_43, %gather3A_68 : vector<16xf32>
        %add3A_74 = arith.addf %get3A_41, %mul3A_73 : vector<16xf32>
        %mul3A_75 = arith.mulf %get3A_47, %gather3A_72 : vector<16xf32>
        %add3A_76 = arith.addf %get3A_45, %mul3A_75 : vector<16xf32>
        %mul3A_77 = arith.mulf %add3A_74, %add3A_76 : vector<16xf32>
        %mul3A_78 = arith.constant 16 : i32
        %mul3A_79 = arith.muli %scan3A_33, %mul3A_78 : i32
        %add3A_80 = arith.constant 8192 : i32
        %add3A_81 = arith.addi %add3A_80, %mul3A_79 : i32
        %swap3A_82 = arith.index_cast %add3A_81 : i32 to index
        %swap3A_83 = tpu.vector_load %arg15[%swap3A_82] {strides = array<i32>} : memref<32768xf32, #tpu.memory_space<vmem>>, vector<16xf32>,
        tpu.vector_store %arg15[%swap3A_82], %mul3A_77 {strides = array<i32>} : memref<32768xf32, #tpu.memory_space<vmem>>, vector<16xf32>,
        %add3A_84 = arith.constant 8192 : i32
        %add3A_85 = vector.broadcast %add3A_84 : i32 to vector<16xi32>
        %add3A_86 = arith.addi %get3A_37, %add3A_85 : vector<16xi32>
        %gather3A_87 = tpu.vector_load_idx %arg14[%add3A_86] : memref<16384xf32, #tpu.memory_space<vmem>>[vector<16xi32>], vector<16xf32>,
        %add3A_88 = arith.constant 8192 : i32
        %add3A_89 = vector.broadcast %add3A_88 : i32 to vector<16xi32>
        %add3A_90 = arith.addi %get3A_39, %add3A_89 : vector<16xi32>
        %gather3A_91 = tpu.vector_load_idx %arg14[%add3A_90] : memref<16384xf32, #tpu.memory_space<vmem>>[vector<16xi32>], vector<16xf32>,
        %mul3A_92 = arith.mulf %get3A_43, %gather3A_87 : vector<16xf32>
        %add3A_93 = arith.addf %get3A_41, %mul3A_92 : vector<16xf32>
        %mul3A_94 = arith.mulf %get3A_47, %gather3A_91 : vector<16xf32>
        %add3A_95 = arith.addf %get3A_45, %mul3A_94 : vector<16xf32>
        %mul3A_96 = arith.mulf %add3A_93, %add3A_95 : vector<16xf32>
        %mul3A_97 = arith.constant 16 : i32
        %mul3A_98 = arith.muli %scan3A_33, %mul3A_97 : i32
        %add3A_99 = arith.constant 16384 : i32
        %add3A_100 = arith.addi %add3A_99, %mul3A_98 : i32
        %swap3A_101 = arith.index_cast %add3A_100 : i32 to index
        %swap3A_102 = tpu.vector_load %arg15[%swap3A_101] {strides = array<i32>} : memref<32768xf32, #tpu.memory_space<vmem>>, vector<16xf32>,
        tpu.vector_store %arg15[%swap3A_101], %mul3A_96 {strides = array<i32>} : memref<32768xf32, #tpu.memory_space<vmem>>, vector<16xf32>,
        %add3A_103 = arith.constant 12288 : i32
        %add3A_104 = vector.broadcast %add3A_103 : i32 to vector<16xi32>
        %add3A_105 = arith.addi %get3A_37, %add3A_104 : vector<16xi32>
        %gather3A_106 = tpu.vector_load_idx %arg14[%add3A_105] : memref<16384xf32, #tpu.memory_space<vmem>>[vector<16xi32>], vector<16xf32>,
        %add3A_107 = arith.constant 12288 : i32
        %add3A_108 = vector.broadcast %add3A_107 : i32 to vector<16xi32>
        %add3A_109 = arith.addi %get3A_39, %add3A_108 : vector<16xi32>
        %gather3A_110 = tpu.vector_load_idx %arg14[%add3A_109] : memref<16384xf32, #tpu.memory_space<vmem>>[vector<16xi32>], vector<16xf32>,
        %mul3A_111 = arith.mulf %get3A_43, %gather3A_106 : vector<16xf32>
        %add3A_112 = arith.addf %get3A_41, %mul3A_111 : vector<16xf32>
        %mul3A_113 = arith.mulf %get3A_47, %gather3A_110 : vector<16xf32>
        %add3A_114 = arith.addf %get3A_45, %mul3A_113 : vector<16xf32>
        %mul3A_115 = arith.mulf %add3A_112, %add3A_114 : vector<16xf32>
        %mul3A_116 = arith.constant 16 : i32
        %mul3A_117 = arith.muli %scan3A_33, %mul3A_116 : i32
        %add3A_118 = arith.constant 24576 : i32
        %add3A_119 = arith.addi %add3A_118, %mul3A_117 : i32
        %swap3A_120 = arith.index_cast %add3A_119 : i32 to index
        %swap3A_121 = tpu.vector_load %arg15[%swap3A_120] {strides = array<i32>} : memref<32768xf32, #tpu.memory_space<vmem>>, vector<16xf32>,
        tpu.vector_store %arg15[%swap3A_120], %mul3A_115 {strides = array<i32>} : memref<32768xf32, #tpu.memory_space<vmem>>, vector<16xf32>,
        %scan3A_122 = arith.constant 0 : i32
        scf.yield %scan3A_122 : i32
      }
      %scan3A_29 = arith.constant 512 : i32
      %mul3A_30 = arith.constant 8192 : i32
      %mul3A_31 = arith.muli %add3A_20, %mul3A_30 : i32
      "tpu.region"() ({
        %run_scoped3A = tpu.sem_alloc : memref<!tpu.dma_semaphore, #tpu.memory_space<semaphore_mem>>
        %dma_start3A = tpu.memref_slice %arg7[%mul3A_31] : memref<16777216xf32, #tpu.memory_space<hbm>> -> memref<32768xf32, #tpu.memory_space<hbm>>
        %dma_start3A_33 = tpu.memref_slice %arg7[%mul3A_31] : memref<16777216xf32, #tpu.memory_space<hbm>> -> memref<32768xf32, #tpu.memory_space<hbm>>
        tpu.enqueue_dma source(%arg15 : memref<32768xf32, #tpu.memory_space<vmem>>) target(%dma_start3A_33 : memref<32768xf32, #tpu.memory_space<hbm>>) target_semaphore(%run_scoped3A : memref<!tpu.dma_semaphore, #tpu.memory_space<semaphore_mem>>)
        %dma_wait3A = tpu.memref_slice %arg7[%mul3A_31] : memref<16777216xf32, #tpu.memory_space<hbm>> -> memref<32768xf32, #tpu.memory_space<hbm>>
        %dma_wait3A_34 = tpu.memref_slice %arg7[%mul3A_31] : memref<16777216xf32, #tpu.memory_space<hbm>> -> memref<32768xf32, #tpu.memory_space<hbm>>
        tpu.wait_dma2 semaphore(%run_scoped3A : memref<!tpu.dma_semaphore, #tpu.memory_space<semaphore_mem>>) src(%arg15 : memref<32768xf32, #tpu.memory_space<vmem>>) dst(%dma_wait3A_34 : memref<32768xf32, #tpu.memory_space<hbm>>)
        tpu.yield
      }) : () -> ()
      %scan3A_32 = arith.constant 0 : i32
      scf.yield %scan3A_32 : i32
    }
    %scan3A_15 = arith.constant 16 : i32
    return
  }
}

</mosaic_0001>

<sc_bundles>
// kernel: kernel.3.cloned.1.call-start
scs
__scs_entry_jumppad:
0x0: {  	(pc) =	sbr.rel $0x88, $3  }
0x1: {  	(tag) =	ssettag $0x0;
	lr =	simm.s32 $0x1  }
0x2: {  	[smem:$0x3F9D] =	sst lr;
	_ =	strace $0xD0000000  }
0x3: {  	_ = 	snop  }
0x4: {  	_ = 	snop  }
0x5: {  	_ = 	snop  }
0x6: {  	_ = 	snop  }
0x7: {  	_ = 	snop  }
__scs_overlays_trampoline_lowered:
0x8: {  	[smem:$0x3FAC] =	sst s0  }
0x9: {  	[smem:$0x3FAD] =	sst s1  }
0xa: {  	[smem:$0x3FAE] =	sst s2  }
0xb: {  	[smem:$0x3FAF] =	sst s3  }
0xc: {  	[smem:$0x3FB0] =	sst s4  }
0xd: {  	[smem:$0x3FB1] =	sst s5  }
0xe: {  	[smem:$0x3FB2] =	sst s6  }
0xf: {  	[smem:$0x3FB3] =	sst s7  }
0x10: {  	[smem:$0x3FB4] =	sst s8  }
0x11: {  	[smem:$0x3FB5] =	sst s9;
	s0 =	simm.s32 @!p0 $0x0  }
0x12: {  	s1 =	sld [smem:$0x3F9B];
	s0 =	simm.s32 @p0 $0x1  }
0x13: {  	[smem:$0x3FB6] =	sst s0;
	s0 =	simm.s32 @!p1 $0x0  }
0x14: {  	s2 =	sld [smem:$0x3F9A];
	s0 =	simm.s32 @p1 $0x1  }
0x15: {  	[smem:$0x3FB7] =	sst s0;
	s0 =	simm.s32 @!p2 $0x0  }
0x16: {  	s3 =	sld [smem:$0x3FDB];
	s0 =	simm.s32 @p2 $0x1  }
0x17: {  	s4 =	simm.s32 $0x1BF5;
	[smem:$0x3FB9] =	sst s0  }
0x18: {  	s0 =	sld [smem:$0x3F9C];
	_ =	swait.ge [sflag:s4], $0x0  }
0x19: {  	s7 =	sld [smem:$0x3F9D]  }
0x1a: {  	s8 =	sadd.s32 $0xFFFFE003, lr  }
0x1b: {  	s9 =	sadd.s32 $0xFFFFFEF7, lr;
	s5 =	simm.s32 $0xFFFFFFFF;
	p2 =	slt.u32 s8, $0xFFFFF086  }
0x1c: {  	p1 =	slt.u32 s9, $0xF7A;
	s5 =	simm.s32 @!p2 $0x0  }
0x1d: {  	s5 =	simm.s32 @p1 $0x1;
	p0 =	seq.s32 s7, s2  }
0x1e: {  	s7 =	smul.u32 @!p0 $0xF7A, s2;
	p2 =	seq.s32 @!p0 s5, $0x0  }
0x1f: {  	s9 =	smul.u32 $0xF7A, s1;
	s8 =	simm.s32 @!p0 $0x1BF5;
	p2 =	por !p2, p0  }
0x20: {  	[sflag:s8] =	ssyncset.s32 @!p0 $0xFFFFF086;
	s6 =	sadd.s32 @!p0 s3, s7;
	s7 =	simm.s32 @!p0 $0x108  }
0x21: {  	s3 =	sadd.s32 s3, s9;
	s6 =	sadd.s32 @!p0 $0x88, s6;
	s7 =	simm.s32 @p2 $0x1082  }
0x22: {  	[simem:s7], [sflag:s8] =	dma.local @!p0 [hbm:s6], $0xF7A  }
0x23: {  	s9 =	sor.u32 $0xD0000000, s2;
	s6 =	simm.s32 $0x108;
	_ =	swait.ge @!p0 [sflag:s8], $0x0  }
0x24: {  	s3 =	sadd.s32 $0x88, s3;
	s6 =	simm.s32 @!p1 $0x1082;
	[sflag:s4] =	ssyncset.s32 $0xFFFFF086  }
0x25: {  	[simem:s6], [sflag:s4] =	dma.local [hbm:s3], $0xF7A  }
0x26: {  	[smem:$0x3F9D] =	sst s1;
	(tag) =	ssettag s2;
	_ =	strace s9  }
0x27: {  	s1 =	sld [smem:$0x3FAD]  }
0x28: {  	s2 =	sld [smem:$0x3FAE]  }
0x29: {  	s4 =	sld [smem:$0x3FB0]  }
0x2a: {  	p0 =	seq.s32 s5, $0x0;
	s5 =	sld [smem:$0x3FB1]  }
0x2b: {  	s6 =	sld [smem:$0x3FB2]  }
0x2c: {  	s7 =	sld [smem:$0x3FB3]  }
0x2d: {  	s3 =	simm.s32 $0x108;
	s8 =	sld [smem:$0x3FB4]  }
0x2e: {  	s3 =	simm.s32 @!p0 $0x1082;
	s9 =	sld [smem:$0x3FB5]  }
0x2f: {  	lr =	sadd.s32 s0, s3;
	s0 =	sld [smem:$0x3FAC]  }
0x30: {  	s3 =	sld [smem:$0x3FAF]  }
0x31: {  	[smem:$0x3FB8] =	sst s10  }
0x32: {  	s10 =	sld [smem:$0x3FB6];
	_ =	sdelay $0x3  }
0x33: {  	p0 =	seq.s32 s10, $0x1;
	s10 =	sld [smem:$0x3FB8];
	_ =	sdelay $0x3  }
0x34: {  	[smem:$0x3FB8] =	sst s10  }
0x35: {  	s10 =	sld [smem:$0x3FB7];
	_ =	sdelay $0x3  }
0x36: {  	p1 =	seq.s32 s10, $0x1;
	s10 =	sld [smem:$0x3FB8];
	_ =	sdelay $0x3  }
0x37: {  	[smem:$0x3FB8] =	sst s10  }
0x38: {  	s10 =	sld [smem:$0x3FB9]  }
0x39: {  	_ = 	snop;
	(pc) =	sbr.ind lr, $3  }
0x3a: {  	_ = 	snop  }
0x3b: {  	_ = 	snop  }
0x3c: {  	p2 =	seq.s32 s10, $0x1;
	s10 =	sld [smem:$0x3FB8]  }
0x3d: {  	_ =	shalt  }
0x3e: {  	_ =	shalt  }
0x3f: {  	_ =	shalt  }
0x40: {  	_ =	shalt  }
0x41: {  	_ =	shalt  }
0x42: {  	_ =	shalt  }
0x43: {  	_ =	shalt  }
0x44: {  	_ =	shalt  }
0x45: {  	_ =	shalt  }
0x46: {  	_ =	shalt  }
0x47: {  	_ =	shalt  }
0x48: {  	_ =	shalt  }
0x49: {  	_ =	shalt  }
0x4a: {  	_ =	shalt  }
0x4b: {  	_ =	shalt  }
0x4c: {  	_ =	shalt  }
0x4d: {  	_ =	shalt  }
0x4e: {  	_ =	shalt  }
0x4f: {  	_ =	shalt  }
0x50: {  	_ =	shalt  }
0x51: {  	_ =	shalt  }
0x52: {  	_ =	shalt  }
0x53: {  	_ =	shalt  }
0x54: {  	_ =	shalt  }
0x55: {  	_ =	shalt  }
0x56: {  	_ =	shalt  }
0x57: {  	_ =	shalt  }
0x58: {  	_ =	shalt  }
0x59: {  	_ =	shalt  }
0x5a: {  	_ =	shalt  }
0x5b: {  	_ =	shalt  }
0x5c: {  	_ =	shalt  }
0x5d: {  	_ =	shalt  }
0x5e: {  	_ =	shalt  }
0x5f: {  	_ =	shalt  }
0x60: {  	_ =	shalt  }
0x61: {  	_ =	shalt  }
0x62: {  	_ =	shalt  }
0x63: {  	_ =	shalt  }
0x64: {  	_ =	shalt  }
0x65: {  	_ =	shalt  }
0x66: {  	_ =	shalt  }
0x67: {  	_ =	shalt  }
0x68: {  	_ =	shalt  }
0x69: {  	_ =	shalt  }
0x6a: {  	_ =	shalt  }
0x6b: {  	_ =	shalt  }
0x6c: {  	_ =	shalt  }
0x6d: {  	_ =	shalt  }
0x6e: {  	_ =	shalt  }
0x6f: {  	_ =	shalt  }
0x70: {  	_ =	shalt  }
0x71: {  	_ =	shalt  }
0x72: {  	_ =	shalt  }
0x73: {  	_ =	shalt  }
0x74: {  	_ =	shalt  }
0x75: {  	_ =	shalt  }
0x76: {  	_ =	shalt  }
0x77: {  	_ =	shalt  }
0x78: {  	_ =	shalt  }
0x79: {  	_ =	shalt  }
0x7a: {  	_ =	shalt  }
0x7b: {  	_ =	shalt  }
0x7c: {  	_ =	shalt  }
0x7d: {  	_ =	shalt  }
0x7e: {  	_ =	shalt  }
0x7f: {  	_ =	shalt  }
0x80: {  	_ =	shalt  }
0x81: {  	_ =	shalt  }
0x82: {  	_ =	shalt  }
0x83: {  	_ =	shalt  }
0x84: {  	_ =	shalt  }
0x85: {  	_ =	shalt  }
0x86: {  	_ =	shalt  }
0x87: {  	_ =	shalt  }
.Lfunc_end0:
.L_simem_size_0:
called_computation.1_lowered:
.L_overlay_start_0:
0x88: {  	s2 =	sld [smem:$0x3FD9]  }
0x89: {  	s3 =	sld [smem:$0x3FFE];
	_ =	sdelay $0x1  }
0x8a: {  	s1 =	srdreg.scid  }
0x8b: {  	s0 =	sand.u32 $0x1, s1  }
0x8c: {  	s17 =	sshll.u32 s0, $0xA;
	s2 =	sadd.s32 s3, s2  }
0x8d: {  	s2 =	sadd.s32 s2, s17  }
0x8e: {  	[smem:$0x3FC4] =	sst s2  }
0x8f: {  	_ = 	snop  }
0x90: {  	s2 =	sld [smem:$0x3FC7]  }
0x91: {  	s18 =	sld [smem:$0x3FC6]  }
0x92: {  	s4 =	sld [smem:$0x3FD0];
	(tm) =	ssettm $0x1  }
0x93: {  	s5 =	sld [smem:$0x3FFB];
	_ =	sdelay $0x3  }
0x94: {  	_ =	strace s5  }
0x95: {  	s5 =	sld [smem:$0x3FFC];
	_ =	sdelay $0x3  }
0x96: {  	_ =	strace s5  }
0x97: {  	s5 =	sld [smem:$0x3FFD];
	_ =	sdelay $0x3  }
0x98: {  	_ =	strace s5  }
0x99: {  	_ =	strace $0x8FFFFFFF  }
0x9a: {  	s19 =	sld [smem:$0x3FDB];
	_ =	sdelay $0x1  }
0x9b: {  	s6 =	simm.s32 $_scs_section_size  }
0x9c: {  	s7 =	simm.s32 $_size__tile_overlayer_lowered;
	s8 =	simm.s32 $_tile_overlayer_lowered  }
0x9d: {  	s22 =	simm.s32 $0x1BFF;
	s21 =	sshll.u32 s8, $0x1;
	s5 =	sadd.s32 s6, s19  }
0x9e: {  	s9 =	simm.s32 $0x0;
	s20 =	sshll.u32 s7, $0x1;
	s7 =	sadd.s32 s21, s5  }
0x9f: {  	[timem:s9], [sflag:s22] =	dma.local [hbm:s7], s20  }
0xa0: {  	_ =	swait.ge [sflag:s22], s20  }
0xa1: {  	s6 =	ssub.s32 $0x0, s20;
	[sflag:s22] =	ssyncset.done $0x0  }
0xa2: {  	[sflag:s22] =	ssyncadd.s32 s6;
	_ =	sdelay $0x1  }
0xa3: {  	s23 =	simm.s32 $0x1B8B  }
0xa4: {  	_ =	swait.ge [sflag:s23], $0x1  }
0xa5: {  	[sflag:s23] =	ssyncset.done $0x0  }
0xa6: {  	s25 =	simm.s32 $0x1B8E;
	s24 =	sld [smem:$0x3FFE];
	[sflag:s23] =	ssyncadd.s32 $0xFFFFFFFF  }
0xa7: {  	s26 =	simm.s32 $execute0_lowered;
	[smem:$0x3FD2] =	sst s25  }
0xa8: {  	s7 =	sshll.u32 s26, $0x1;
	_ =	strace $0x80000049;
	[dreg:$0x1] =	wrdreg $0xFFFFFFFF  }
0xa9: {  	s28 =	simm.s32 $_size_execute0_lowered;
	s5 =	sadd.s32 s5, s7;
	[dreg:$0x0] =	wrdreg $0x0  }
0xaa: {  	s7 =	sshll.u32 s28, $0x1;
	[dreg:$0x2] =	wrdreg s5  }
0xab: {  	[dreg:$0x3] =	wrdreg s7  }
0xac: {  	[dreg:$0x4] =	wrdreg $0xC0  }
0xad: {  	_ =	task [dreg:s9], $0x5FFFF  }
0xae: {  	[dreg:$0x1] =	wrdreg $0xFFFFFFFF  }
0xaf: {  	[dreg:$0x0] =	wrdreg $0x60  }
0xb0: {  	[dreg:$0x2] =	wrdreg s4  }
0xb1: {  	[dreg:$0x3] =	wrdreg s24  }
0xb2: {  	[dreg:$0x4] =	wrdreg s2  }
0xb3: {  	[dreg:$0x5] =	wrdreg s18  }
0xb4: {  	[dreg:$0x6] =	wrdreg $0x9  }
0xb5: {  	_ =	task.clear_ibuf [dreg:s9], $0x7FFFF;
	_ =	strace $0x90000049  }
0xb6: {  	s29 =	simm.s32 $0x9;
	_ =	strace $0x8000004B  }
0xb7: {  	_ =	swait.ge [sflag:s29], $0x1  }
0xb8: {  	[sflag:s29] =	ssyncadd.s32 $0xFFFFFFFF  }
0xb9: {  	_ =	strace $0x9000004B  }
0xba: {  	_ =	sfence  }
0xbb: {  	s30 =	sld [smem:$0x0];
	_ =	sdelay $0x2  }
0xbc: {  	s31 =	sshll.u32 s1, $0xD;
	s1 =	sshrl.u32 s1, $0x2  }
0xbd: {  	s3 =	sand.u32 $0x4000, s31;
	s1 =	sadd.s32 s1, s30  }
0xbe: {  	s0 =	sor.u32 s3, s0;
	s1 =	sshll.u32 s1, $0x11  }
0xbf: {  	s0 =	sor.u32 s1, s0  }
0xc0: {  	s0 =	sadd.s32 $0x8F2B, s0  }
0xc1: {  	[sflag:s0] =	ssyncadd.remote.s32 $0x1  }
0xc2: {  	_ =	sfence.sel $0xFFFF  }
0xc3: {  	[dreg:$0x0] =	wrdreg $0xFFFFFFFF;
	(pc) =	sbr.abs _section_cstart, $3  }
0xc4: {  	[dreg:$0x1] =	wrdreg $0xFFFFFFFF  }
0xc5: {  	_ =	task.clear_ibuf [dreg:s9], $0x2FFFF;
	_ =	strace $0x9FFFFFFF  }
0xc6: {  	(tm) =	ssettm $0x7FFFFFFF  }
0xc7: {  	_ =	shalt  }
tec
execute0_lowered:
.L_overlay_start_1:
0x0: {  	(tag) =	ssettag $0x1  }
0x1: {  	s1 =	rddreg [dreg:$0x0]  }
0x2: {  	s5 =	rddreg [dreg:$0x1]  }
0x3: {  	s2 =	rddreg [dreg:$0x2]  }
0x4: {  	s3 =	rddreg [dreg:$0x3]  }
0x5: {  	s0 =	rddreg [dreg:$0x4];
	s4 =	simm.s32 $0x0;
	s6 =	srdreg.scid  }
0x6: {  	s12 =	simm.s32 $0x2000;
	s13 =	simm.s32 $0x4000;
	s14 =	simm.s32 $0x8000  }
0x7: {  	s15 =	simm.s32 $0xC000;
	s16 =	simm.s32 $0x10000;
	s17 =	simm.s32 $0x0  }
0x8: {  	[smem:$0x7FF] =	sst s4;
	s9 =	sand.u32 $0x1, s6;
	s6 =	sadd.s32 $0x1000, s5  }
0x9: {  	s7 =	sadd.s32 $0xC00, s5;
	s8 =	sadd.s32 $0x1400, s5;
	s10 =	ssub.s32 $0x2, s9  }
0xa: {  	s5 =	stileid.u32;
	_ =	strace $0x8000004A;
	s11 =	sshrl.u32 s10, $0x1  }
0xb: {  	s31 =	sshll.u32 s5, $0x7;
	s9 =	sshll.u32 s9, $0x6;
	s10 =	ssub.s32 s10, s11  }
0xc: {  	v0 =	vimm.f32 $0.0e+00;
	s9 =	sor.u32 s9, s31;
	s11 =	simm.s32 $0x1;
	s10 =	smax.u32 s10, $0x1  }
.LBB2_1:
0xd: {  	[tilespmem:s4], [sflag:$0x1] =	stream.linear.gather [hbm4b:s2+s4], $0x2000, $0x38;
	[tilespmem:$0x18000] =	vst v63  }
0xe: {  	_ =	swait.ge [sflag:s11], $0x2000  }
0xf: {  	[sflag:s11] =	ssyncset.done $0x0  }
0x10: {  	[sflag:s11] =	ssyncadd.s32 $0xFFFFE000  }
0x11: {  	[tilespmem:s12], [sflag:$0x1] =	stream.linear.gather [hbm4b:s3+s4], $0x2000, $0x38;
	[tilespmem:$0x18000] =	vst v63  }
0x12: {  	_ =	swait.ge [sflag:s11], $0x2000  }
0x13: {  	[sflag:s11] =	ssyncset.done $0x0  }
0x14: {  	[sflag:s11] =	ssyncadd.s32 $0xFFFFE000  }
0x15: {  	[tilespmem:s13], [sflag:$0x1] =	stream.linear.gather [hbm4b:s6+s4], $0x2000, $0x38;
	[tilespmem:$0x18000] =	vst v63  }
0x16: {  	_ =	swait.ge [sflag:s11], $0x2000  }
0x17: {  	[sflag:s11] =	ssyncset.done $0x0  }
0x18: {  	[sflag:s11] =	ssyncadd.s32 $0xFFFFE000  }
0x19: {  	[tilespmem:s14], [sflag:$0x1] =	stream.linear.gather [hbm4b:s7+s4], $0x2000, $0x38;
	[tilespmem:$0x18000] =	vst v63  }
0x1a: {  	_ =	swait.ge [sflag:s11], $0x2000  }
0x1b: {  	[sflag:s11] =	ssyncset.done $0x0  }
0x1c: {  	s18 =	simm.s32 $0x0;
	[sflag:s11] =	ssyncadd.s32 $0xFFFFE000  }
0x1d: {  	v1 =	vld [tilespmem:s18+$0x4000]  }
0x1e: {  	v2 =	vld [tilespmem:s18+$0x8000];
	_ =	sdelay $0x2  }
0x1f: {  	s19 =	simm.s32 $0x40;
	s20 =	simm.s32 $0x80  }
.LBB2_2:
0x20: {  	p0 =	sne.s32 s20, $0x7FC0;
	vm0 =	vgt.f32 v1, $0.0e+00  }
0x21: {  	v1 =	vsel vm0, $0x3F800000, v0;
	vm0 =	vgt.f32 v2, $0.0e+00  }
0x22: {  	s21 =	sshra.s32 s19, $0x2;
	s19 =	smov.u32 s20;
	v2 =	vsel vm0, $0x3F800000, v0;
	[tilespmem:s18+$0x4000] =	vst v1;
	v3 =	vadd.f32 v1, v1  }
.Ltmp0:
0x23: {  	v1 =	vld [tilespmem:s21+$0x4000];
	[tilespmem:s18+$0x8000] =	vst v2;
	v4 =	vadd.f32 v2, v2;
	(pc) =	sbr.rel @p0 .LBB2_2-.Ltmp0, $4  }
0x24: {  	v2 =	vld [tilespmem:s21+$0x8000];
	v3 =	vsub.f32 $1.000000000e+00, v3  }
0x25: {  	v4 =	vsub.f32 $1.000000000e+00, v4  }
0x26: {  	[tilespmem:s18+$0x6000] =	vst v3  }
0x27: {  	s20 =	sadd.s32 $0x40, s20;
	[tilespmem:s18+$0xA000] =	vst v4;
	s18 =	smov.u32 s21  }
0x28: {  	vm0 =	vgt.f32 v1, $0.0e+00  }
0x29: {  	v1 =	vsel vm0, $0x3F800000, v0;
	vm13 =	vgt.f32 v2, $0.0e+00  }
0x2a: {  	s19 =	sshra.s32 s19, $0x2;
	[tilespmem:s18+$0x4000] =	vst v1;
	v2 =	vsel vm13, $0x3F800000, v0  }
0x2b: {  	v3 =	vld [tilespmem:s19+$0x4000];
	[tilespmem:s18+$0x8000] =	vst v2  }
0x2c: {  	v4 =	vld [tilespmem:s19+$0x8000];
	_ =	sdelay $0x1  }
0x2d: {  	v1 =	vadd.f32 v1, v1  }
0x2e: {  	v2 =	vadd.f32 v2, v2  }
0x2f: {  	v1 =	vsub.f32 $1.000000000e+00, v1;
	vm14 =	vgt.f32 v3, $0.0e+00  }
0x30: {  	v2 =	vsub.f32 $1.000000000e+00, v2;
	v3 =	vsel vm14, $0x3F800000, v0;
	vm15 =	vgt.f32 v4, $0.0e+00  }
0x31: {  	[tilespmem:s18+$0x6000] =	vst v1;
	v1 =	vsel vm15, $0x3F800000, v0;
	v63 =	vadd.f32 v3, v3  }
0x32: {  	[tilespmem:s18+$0xA000] =	vst v2;
	v2 =	vadd.f32 v1, v1  }
0x33: {  	[tilespmem:s19+$0x4000] =	vst v3;
	v3 =	vsub.f32 $1.000000000e+00, v63  }
0x34: {  	[tilespmem:s19+$0x8000] =	vst v1;
	v1 =	vsub.f32 $1.000000000e+00, v2  }
0x35: {  	[tilespmem:s19+$0x6000] =	vst v3  }
0x36: {  	s18 =	simm.s32 $0x0;
	[tilespmem:s19+$0xA000] =	vst v1;
	s19 =	simm.s32 $0x0  }
.LBB2_4:
0x37: {  	s20 =	sshll.u32 s19, $0x2  }
0x38: {  	s20 =	sadd.s32 s9, s20  }
0x39: {  	s21 =	sshll.u32 s20, $0x9  }
0x3a: {  	s21 =	sadd.s32 s1, s21  }
0x3b: {  	[tilespmem:s15], [sflag:$0x1] =	stream.linear.gather [hbm4b:s21+s18], $0x4000, $0x38;
	[tilespmem:$0x18000] =	vst v63  }
0x3c: {  	_ =	swait.ge [sflag:s11], $0x4000  }
0x3d: {  	[sflag:s11] =	ssyncset.done $0x0  }
0x3e: {  	[sflag:s11] =	ssyncadd.s32 $0xFFFFC000  }
0x3f: {  	s21 =	simm.s32 $0x2000;
	v1 =	vld [tilespmem:s18+$0x0]  }
0x40: {  	v2 =	vld [tilespmem:s21+$0x0];
	_ =	sdelay $0x3  }
0x41: {  	s22 =	simm.s32 $0x6000  }
0x42: {  	s26 =	simm.s32 $0xA000;
	v3 =	vld [tilespmem:s22+$0x0]  }
0x43: {  	v6 =	vld [tilespmem:s26+$0x0]  }
0x44: {  	v4 =	vld.idx.msk [tilespmem:v1+s15+$0x0], $0xffff  }
0x45: {  	s23 =	simm.s32 $0x8000;
	v5 =	vld.idx.msk [tilespmem:v2+s15+$0x0], $0xffff  }
0x46: {  	s22 =	simm.s32 $0x4000;
	v7 =	vld [tilespmem:s23+$0x0]  }
0x47: {  	v8 =	vld [tilespmem:s22+$0x0];
	_ =	sdelay $0x2  }
0x48: {  	v4 =	vmul.f32 v4, v3;
	v5 =	vmul.f32 v5, v6;
	_ =	sdelay $0x1  }
0x49: {  	v9 =	vadd.s32 $0x1000, v1;
	v4 =	vadd.f32 v4, v8;
	v5 =	vadd.f32 v5, v7  }
0x4a: {  	v10 =	vadd.s32 $0x1000, v2  }
0x4b: {  	v4 =	vmul.f32 v5, v4  }
0x4c: {  	s31 =	simm.s32 $0x10000  }
0x4d: {  	[tilespmem:s31+$0x0] =	vst v4  }
0x4e: {  	v4 =	vld.idx.msk [tilespmem:v9+s15+$0x0], $0xffff  }
0x4f: {  	v60 =	vld.idx.msk [tilespmem:v10+s15+$0x0], $0xffff;
	_ =	sdelay $0x4  }
0x50: {  	v4 =	vmul.f32 v4, v3;
	v5 =	vmul.f32 v60, v6;
	_ =	sdelay $0x1  }
0x51: {  	v61 =	vadd.s32 $0x2000, v1;
	v4 =	vadd.f32 v4, v8;
	v5 =	vadd.f32 v5, v7  }
0x52: {  	v62 =	vadd.s32 $0x2000, v2  }
0x53: {  	v4 =	vmul.f32 v5, v4  }
0x54: {  	s30 =	sand.u32 $0x1FF0, s18  }
0x55: {  	[tilespmem:s30+$0x12000] =	vst v4  }
0x56: {  	v4 =	vld.idx.msk [tilespmem:v61+s15+$0x0], $0xffff  }
0x57: {  	v63 =	vld.idx.msk [tilespmem:v62+s15+$0x0], $0xffff;
	_ =	sdelay $0x4  }
0x58: {  	v4 =	vmul.f32 v4, v3;
	v5 =	vmul.f32 v63, v6;
	_ =	sdelay $0x1  }
0x59: {  	v1 =	vadd.s32 $0x3000, v1;
	v4 =	vadd.f32 v4, v8;
	v5 =	vadd.f32 v5, v7  }
0x5a: {  	v2 =	vadd.s32 $0x3000, v2  }
0x5b: {  	v4 =	vmul.f32 v5, v4;
	_ =	sdelay $0x1  }
0x5c: {  	[tilespmem:s30+$0x14000] =	vst v4  }
0x5d: {  	v1 =	vld.idx.msk [tilespmem:v1+s15+$0x0], $0xffff  }
0x5e: {  	v2 =	vld.idx.msk [tilespmem:v2+s15+$0x0], $0xffff;
	_ =	sdelay $0x4  }
0x5f: {  	v1 =	vmul.f32 v1, v3;
	v2 =	vmul.f32 v2, v6  }
0x60: {  	s24 =	simm.s32 $0x10010;
	s25 =	simm.s32 $0x6010;
	s28 =	simm.s32 $0xA010  }
0x61: {  	s29 =	simm.s32 $0x0;
	s23 =	simm.s32 $0x10;
	s26 =	simm.s32 $0x8010;
	v1 =	vadd.f32 v1, v8;
	v2 =	vadd.f32 v2, v7  }
.LBB2_5:
0x62: {  	s29 =	sadd.s32 $0x10, s29;
	s21 =	sadd.s32 $0x10, s21;
	s22 =	sadd.s32 $0x10, s22  }
0x63: {  	p0 =	sne.s32 s23, $0x1FF0;
	s31 =	smov.u32 s23;
	s23 =	sadd.s32 $0x10, s23;
	v1 =	vmul.f32 v2, v1  }
0x64: {  	_ = 	snop  }
0x65: {  	[tilespmem:s30+$0x16000] =	vst v1  }
0x66: {  	v1 =	vld [tilespmem:s29+$0x0]  }
0x67: {  	v2 =	vld [tilespmem:s21+$0x0];
	_ =	sdelay $0x5  }
0x68: {  	v3 =	vld [tilespmem:s25+$0x0]  }
0x69: {  	v4 =	vld.idx.msk [tilespmem:v1+s15+$0x0], $0xffff  }
0x6a: {  	v5 =	vld.idx.msk [tilespmem:v2+s15+$0x0], $0xffff  }
0x6b: {  	v6 =	vld [tilespmem:s28+$0x0]  }
0x6c: {  	v7 =	vld [tilespmem:s26+$0x0]  }
0x6d: {  	v8 =	vld [tilespmem:s22+$0x0];
	_ =	sdelay $0x1  }
0x6e: {  	v4 =	vmul.f32 v4, v3  }
0x6f: {  	v5 =	vmul.f32 v5, v6  }
0x70: {  	v9 =	vadd.s32 $0x1000, v1  }
0x71: {  	v10 =	vadd.s32 $0x1000, v2;
	v4 =	vadd.f32 v4, v8;
	v5 =	vadd.f32 v5, v7;
	_ =	sdelay $0x1  }
0x72: {  	v4 =	vmul.f32 v5, v4;
	_ =	sdelay $0x1  }
0x73: {  	[tilespmem:s24+$0x0] =	vst v4  }
0x74: {  	v4 =	vld.idx.msk [tilespmem:v9+s15+$0x0], $0xffff  }
0x75: {  	v5 =	vld.idx.msk [tilespmem:v10+s15+$0x0], $0xffff;
	_ =	sdelay $0x4  }
0x76: {  	v4 =	vmul.f32 v4, v3  }
0x77: {  	v5 =	vmul.f32 v5, v6  }
0x78: {  	v4 =	vadd.f32 v4, v8  }
0x79: {  	v9 =	vadd.s32 $0x2000, v1;
	v10 =	vadd.s32 $0x2000, v2;
	v5 =	vadd.f32 v5, v7;
	_ =	sdelay $0x1  }
0x7a: {  	s30 =	sand.u32 $0x1FF0, s31;
	v4 =	vmul.f32 v5, v4;
	_ =	sdelay $0x1  }
0x7b: {  	[tilespmem:s30+$0x12000] =	vst v4  }
0x7c: {  	v4 =	vld.idx.msk [tilespmem:v9+s15+$0x0], $0xffff  }
0x7d: {  	v5 =	vld.idx.msk [tilespmem:v10+s15+$0x0], $0xffff;
	_ =	sdelay $0x4  }
0x7e: {  	v4 =	vmul.f32 v4, v3  }
0x7f: {  	v5 =	vmul.f32 v5, v6  }
0x80: {  	v4 =	vadd.f32 v4, v8  }
0x81: {  	v1 =	vadd.s32 $0x3000, v1;
	v2 =	vadd.s32 $0x3000, v2;
	v5 =	vadd.f32 v5, v7;
	_ =	sdelay $0x1  }
0x82: {  	v4 =	vmul.f32 v5, v4;
	_ =	sdelay $0x1  }
0x83: {  	[tilespmem:s30+$0x14000] =	vst v4  }
0x84: {  	v1 =	vld.idx.msk [tilespmem:v1+s15+$0x0], $0xffff  }
0x85: {  	v2 =	vld.idx.msk [tilespmem:v2+s15+$0x0], $0xffff;
	_ =	sdelay $0x3  }
.Ltmp1:
0x86: {  	(pc) =	sbr.rel @p0 .LBB2_5-.Ltmp1, $4  }
0x87: {  	v1 =	vmul.f32 v1, v3  }
0x88: {  	v2 =	vmul.f32 v2, v6  }
0x89: {  	s24 =	sadd.s32 $0x10, s24;
	v1 =	vadd.f32 v1, v8  }
0x8a: {  	s25 =	sadd.s32 $0x10, s25;
	s28 =	sadd.s32 $0x10, s28;
	s26 =	sadd.s32 $0x10, s26;
	v2 =	vadd.f32 v2, v7  }
0x8b: {  	_ = 	snop  }
0x8c: {  	s19 =	sadd.s32 $0x1, s19;
	v1 =	vmul.f32 v2, v1  }
0x8d: {  	s20 =	sshll.u32 s20, $0xA;
	p0 =	sne.s32 s19, $0x10  }
.Ltmp2:
0x8e: {  	s20 =	sadd.s32 s8, s20;
	[tilespmem:s30+$0x16000] =	vst v1;
	(pc) =	sbr.rel @p0 .LBB2_4-.Ltmp2, $4  }
0x8f: {  	[hbm4b:s20+s4] =	stream.linear.scatter [tilespmem:s16], [sflag:$0x1], $0x8000, $0x38;
	[tilespmem:$0x18000] =	vst v63  }
0x90: {  	_ =	swait.ge [sflag:s11], $0x8000  }
0x91: {  	[sflag:s11] =	ssyncset.done $0x0  }
0x92: {  	[sflag:s11] =	ssyncadd.s32 $0xFFFF8000  }
0x93: {  	s17 =	sadd.s32 $0x1, s17  }
0x94: {  	p0 =	sne.s32 s17, s10  }
.Ltmp3:
0x95: {  	_ = 	snop;
	(pc) =	sbr.rel @p0 .LBB2_1-.Ltmp3, $1  }
0x96: {  	_ =	sdelay $0x3  }
0x97: {  	_ =	sfence.sel $0x180000  }
0x98: {  	[bflag:$0x0] =	sbarrier.arrive $0xFFFF  }
0x99: {  	p0 =	sne.s32 s5, $0x0;
	_ =	strace $0x9000004A  }
0x9a: {  	s0 =	sadd.s32 @!p0 $0x100000, s0;
	[bflag:$0x2] =	sbarrier.arrive $0xFFFF  }
0x9b: {  	[sflag:s0] =	ssyncadd.tile.s32 @!p0 $0x1;
	_ =	shalt  }
.Lfunc_end2:
_tile_overlayer_lowered:
.L_overlay_start_2:
0x9c: {  	(tag) =	ssettag $0x2  }
0x9d: {  	s0 =	rddreg [dreg:$0x0];
	s2 =	stileid.u32  }
0x9e: {  	s1 =	rddreg [dreg:$0x1];
	p0 =	sne.s32 s2, $0x0  }
0x9f: {  	s3 =	rddreg [dreg:$0x2];
	[bflag:$0x3] =	sbarrier.arrive $0xFFFF;
	s2 =	simm.s32 @!p0 $0x1C01  }
0xa0: {  	[timem:s3], [sflag:s2] =	dma.local @!p0 [hbm:s0], s1  }
0xa1: {  	s0 =	simm.s32 @!p0 $0x1  }
0xa2: {  	_ =	swait.ge @!p0 [sflag:s0], s1  }
0xa3: {  	s1 =	ssub.s32 @!p0 $0x0, s1;
	[sflag:s0] =	ssyncset.done @!p0 $0x0  }
0xa4: {  	[sflag:s0] =	ssyncadd.s32 @!p0 s1  }
0xa5: {  	[bflag:$0x3] =	sbarrier.arrive $0xFFFF  }
0xa6: {  	_ =	shalt  }

// kernel: sparse-core-data-format-call.cloned.1.call-start
scs
called_computation_lowered:
.L_overlay_start_0:
0x0: {  	s2 =	sld [smem:$0x3FD9]  }
0x1: {  	s3 =	sld [smem:$0x3FFE];
	_ =	sdelay $0x1  }
0x2: {  	s1 =	srdreg.scid  }
0x3: {  	s0 =	sand.u32 $0x1, s1  }
0x4: {  	s19 =	sshll.u32 s0, $0xA;
	s2 =	sadd.s32 s3, s2  }
0x5: {  	s2 =	sadd.s32 s2, s19  }
0x6: {  	[smem:$0x3FC4] =	sst s2  }
0x7: {  	_ = 	snop  }
0x8: {  	s2 =	sld [smem:$0x3FC9]  }
0x9: {  	s20 =	sld [smem:$0x3FD0];
	(tm) =	ssettm $0x1  }
0xa: {  	s4 =	sld [smem:$0x3FFB];
	_ =	sdelay $0x3  }
0xb: {  	_ =	strace s4  }
0xc: {  	s4 =	sld [smem:$0x3FFC];
	_ =	sdelay $0x3  }
0xd: {  	_ =	strace s4  }
0xe: {  	s4 =	sld [smem:$0x3FFD];
	_ =	sdelay $0x3  }
0xf: {  	_ =	strace s4  }
0x10: {  	_ =	strace $0x8FFFFFFF  }
0x11: {  	s21 =	sld [smem:$0x3FDB];
	_ =	sdelay $0x1  }
0x12: {  	s5 =	simm.s32 $_scs_section_size  }
0x13: {  	s6 =	simm.s32 $_size__tile_overlayer_lowered;
	s7 =	simm.s32 $_tile_overlayer_lowered  }
0x14: {  	s24 =	simm.s32 $0x1BFF;
	s23 =	sshll.u32 s7, $0x1;
	s4 =	sadd.s32 s5, s21  }
0x15: {  	s8 =	simm.s32 $0x0;
	s22 =	sshll.u32 s6, $0x1;
	s6 =	sadd.s32 s23, s4  }
0x16: {  	[timem:s8], [sflag:s24] =	dma.local [hbm:s6], s22  }
0x17: {  	_ =	swait.ge [sflag:s24], s22  }
0x18: {  	s5 =	ssub.s32 $0x0, s22;
	[sflag:s24] =	ssyncset.done $0x0  }
0x19: {  	[sflag:s24] =	ssyncadd.s32 s5;
	_ =	sdelay $0x1  }
0x1a: {  	s25 =	simm.s32 $0x1B8B  }
0x1b: {  	_ =	swait.ge [sflag:s25], $0x1  }
0x1c: {  	[sflag:s25] =	ssyncset.done $0x0  }
0x1d: {  	s26 =	simm.s32 $0x1B8E;
	[sflag:s25] =	ssyncadd.s32 $0xFFFFFFFF  }
0x1e: {  	s27 =	simm.s32 $execute0_lowered;
	[smem:$0x3FD2] =	sst s26  }
0x1f: {  	s5 =	sshll.u32 s27, $0x1;
	_ =	strace $0x80000046;
	[dreg:$0x1] =	wrdreg $0xFFFFFFFF  }
0x20: {  	s28 =	simm.s32 $_size_execute0_lowered;
	s4 =	sadd.s32 s4, s5;
	[dreg:$0x0] =	wrdreg $0x0  }
0x21: {  	s5 =	sshll.u32 s28, $0x1;
	[dreg:$0x2] =	wrdreg s4  }
0x22: {  	[dreg:$0x3] =	wrdreg s5  }
0x23: {  	[dreg:$0x4] =	wrdreg $0xC0  }
0x24: {  	_ =	task [dreg:s8], $0x5FFFF  }
0x25: {  	[dreg:$0x1] =	wrdreg $0xFFFFFFFF  }
0x26: {  	[dreg:$0x0] =	wrdreg $0x60  }
0x27: {  	[dreg:$0x2] =	wrdreg s2  }
0x28: {  	[dreg:$0x3] =	wrdreg s20  }
0x29: {  	[dreg:$0x4] =	wrdreg $0x9  }
0x2a: {  	_ =	task.clear_ibuf [dreg:s8], $0x5FFFF;
	_ =	strace $0x90000046  }
0x2b: {  	s29 =	simm.s32 $0x9;
	_ =	strace $0x80000048  }
0x2c: {  	_ =	swait.ge [sflag:s29], $0x1  }
0x2d: {  	[sflag:s29] =	ssyncadd.s32 $0xFFFFFFFF  }
0x2e: {  	_ =	strace $0x90000048  }
0x2f: {  	_ =	sfence  }
0x30: {  	s30 =	sld [smem:$0x0];
	_ =	sdelay $0x2  }
0x31: {  	s31 =	sshll.u32 s1, $0xD;
	s1 =	sshrl.u32 s1, $0x2  }
0x32: {  	s3 =	sand.u32 $0x4000, s31;
	s1 =	sadd.s32 s1, s30  }
0x33: {  	s0 =	sor.u32 s3, s0;
	s1 =	sshll.u32 s1, $0x11  }
0x34: {  	s0 =	sor.u32 s1, s0  }
0x35: {  	s0 =	sadd.s32 $0x8F2B, s0  }
0x36: {  	[sflag:s0] =	ssyncadd.remote.s32 $0x1  }
0x37: {  	_ =	sfence.sel $0xFFFF  }
0x38: {  	[dreg:$0x0] =	wrdreg $0xFFFFFFFF;
	(pc) =	sbr.abs _section_cstart, $3  }
0x39: {  	[dreg:$0x1] =	wrdreg $0xFFFFFFFF  }
0x3a: {  	_ =	task.clear_ibuf [dreg:s8], $0x2FFFF;
	_ =	strace $0x9FFFFFFF  }
0x3b: {  	(tm) =	ssettm $0x7FFFFFFF  }
tec
execute0_lowered:
.L_overlay_start_1:
0x0: {  	(tag) =	ssettag $0x1  }
0x1: {  	s2 =	rddreg [dreg:$0x0]  }
0x2: {  	s3 =	rddreg [dreg:$0x1]  }
0x3: {  	s0 =	rddreg [dreg:$0x2];
	_ =	strace $0x80000047  }
0x4: {  	s4 =	srdreg.scid;
	s1 =	stileid.u32;
	s6 =	simm.s32 $0x2  }
.Ltmp0:
0x5: {  	s11 =	simm.s32 $0x0;
	p0 =	por $0x0, $0x0;
	(pc) =	sbr.rel .LBB1_1-.Ltmp0, $4  }
0x6: {  	s7 =	simm.s32 $0x1000;
	s12 =	simm.s32 $0x0;
	s5 =	sshll.u32 s4, $0x4  }
0x7: {  	s9 =	simm.s32 $0x0;
	s4 =	simm.s32 $0x1;
	s5 =	sand.u32 $0x10, s5  }
0x8: {  	s8 =	simm.s32 $0x0;
	[sflag:s4] =	ssyncpa.u1 $0x0;
	s5 =	sor.u32 s1, s5  }
0x9: {  	[sflag:s6] =	ssyncpa.u1 $0x0;
	s6 =	simm.s32 $0x800;
	s10 =	smov.u32 s5  }
.LBB1_7:
0xa: {  	s13 =	sadd.s32 $0x10, s9  }
0xb: {  	s11 =	sadd.s32 $0x20, s10;
	s15 =	smov.u32 s10;
	p2 =	sgt.s32 s13, $0x1F  }
0xc: {  	p1 =	slt.u32 s8, $0x2;
	s15 =	smov.u32 @p2 s11  }
0xd: {  	s8 =	sadd.s32 $0x1, s8;
	s13 =	simm.s32 @p2 $0x0;
	p2 =	sgt.s32 s15, $0xFF  }
0xe: {  	s15 =	smov.u32 @p2 s5;
	p2 =	sne.s32 s8, $0x12  }
.Ltmp1:
0xf: {  	_ = 	snop;
	(pc) =	sbr.rel @!p2 .LBB1_8-.Ltmp1, $4  }
0x10: {  	s14 =	simm.s32 @!p1 $0x2  }
0x11: {  	s12 =	smov.u32 s10;
	_ =	swait.ge @!p1 [sflag:s14], $0x4000  }
0x12: {  	p0 =	por !p0, !p0;
	s11 =	smov.u32 s9;
	[sflag:s14] =	ssyncset.done @!p1 $0x0  }
0x13: {  	s9 =	smov.u32 s13;
	[sflag:s14] =	ssyncadd.s32 @!p1 $0xFFFFC000;
	s10 =	smov.u32 s15  }
.LBB1_1:
0x14: {  	p1 =	sgt.u32 s8, $0xF  }
0x15: {  	s13 =	sxor.u32 @!p1 $0xFFFFFFFF, s8;
	s14 =	sshll.u32 @!p1 s10, $0xC  }
0x16: {  	s15 =	sshll.u32 @!p1 s9, $0x7;
	s13 =	sshll.u32 @!p1 s13, $0xE;
	s14 =	sadd.s32 @!p1 s2, s14  }
0x17: {  	s13 =	sand.u32 @!p1 $0x4000, s13;
	s14 =	sadd.s32 @!p1 s15, s14;
	s15 =	simm.s32 @!p1 $0x0  }
0x18: {  	[tilespmem:s13], [sflag:$0x1] =	stream.linear.gather @!p1 [hbm4b:s14+s15], $0x4000, $0x38;
	[tilespmem:$0x10000] =	vst v63  }
0x19: {  	p1 =	seq.s32 s8, $0x0  }
0x1a: {  	p2 =	seq.s32 @!p1 s8, $0x11  }
0x1b: {  	p1 =	por p1, p2  }
.Ltmp2:
0x1c: {  	_ = 	snop;
	(pc) =	sbr.rel @p1 .LBB1_7-.Ltmp2, $1  }
0x1d: {  	_ =	sdelay $0x3  }
0x1e: {  	s13 =	simm.s32 $0x1;
	_ =	swait.ge [sflag:s4], $0x4000;
	s16 =	sshll.u32 s8, $0xE  }
0x1f: {  	s13 =	simm.s32 @!p0 $0x0;
	[sflag:s4] =	ssyncset.done $0x0;
	s31 =	sand.u32 $0x4000, s16  }
0x20: {  	s16 =	simm.s32 $0x0;
	s14 =	sshll.u32 s13, $0xE;
	[sflag:s4] =	ssyncadd.s32 $0xFFFFC000  }
0x21: {  	s13 =	sor.u32 $0x8040, s14;
	s15 =	sor.u32 $0x40, s14;
	s14 =	sor.u32 $0x8000, s31  }
.LBB1_3:
0x22: {  	v0 =	vmov s15;
	_ =	sdelay $0x3  }
0x23: {  	s18 =	simm.s32 $0x0  }
0x24: {  	v6 =	vld.idx.msk [tilespmem:v0+s18+$0x30 ss:$0x1], $0xffff  }
0x25: {  	v7 =	vld.idx.msk [tilespmem:v0+s18+$0xFFFFFFC0 ss:$0x1], $0xffff  }
0x26: {  	v5 =	vld.idx.msk [tilespmem:v0+s18+$0xFFFFFFD0 ss:$0x1], $0xffff  }
0x27: {  	v4 =	vld.idx.msk [tilespmem:v0+s18+$0xFFFFFFE0 ss:$0x1], $0xffff  }
0x28: {  	v3 =	vld.idx.msk [tilespmem:v0+s18+$0xFFFFFFF0 ss:$0x1], $0xffff  }
0x29: {  	v1 =	vld.idx.msk [tilespmem:v0+s18+$0x0 ss:$0x1], $0xffff  }
0x2a: {  	v2 =	vld.idx.msk [tilespmem:v0+s18+$0x10 ss:$0x1], $0xffff;
	[tilespmem:s13+$0x30] =	vst v6  }
0x2b: {  	s17 =	simm.s32 $0x80;
	s19 =	simm.s32 $0x400;
	[tilespmem:s13+$0xFFFFFFC0] =	vst v7;
	v6 =	vld.idx.msk [tilespmem:v0+s18+$0x20 ss:$0x1], $0xffff;
	s18 =	smov.u32 s13  }
.LBB1_4:
0x2c: {  	p1 =	sne.s32 s19, $0xE00;
	v7 =	vld.idx.msk [tilespmem:v0+s17+$0x30 ss:$0x1], $0xffff;
	[tilespmem:s18+$0xFFFFFFD0] =	vst v5  }
0x2d: {  	v8 =	vld.idx.msk [tilespmem:v0+s17+$0xFFFFFFC0 ss:$0x1], $0xffff;
	[tilespmem:s18+$0xFFFFFFE0] =	vst v4  }
0x2e: {  	v5 =	vld.idx.msk [tilespmem:v0+s17+$0xFFFFFFD0 ss:$0x1], $0xffff;
	[tilespmem:s18+$0xFFFFFFF0] =	vst v3  }
.Ltmp3:
0x2f: {  	v4 =	vld.idx.msk [tilespmem:v0+s17+$0xFFFFFFE0 ss:$0x1], $0xffff;
	[tilespmem:s18+$0x0] =	vst v1;
	(pc) =	sbr.rel @p1 .LBB1_4-.Ltmp3, $4  }
0x30: {  	v3 =	vld.idx.msk [tilespmem:v0+s17+$0xFFFFFFF0 ss:$0x1], $0xffff;
	[tilespmem:s18+$0x10] =	vst v2  }
0x31: {  	v1 =	vld.idx.msk [tilespmem:v0+s17+$0x0 ss:$0x1], $0xffff;
	[tilespmem:s18+$0x20] =	vst v6;
	s18 =	sadd.s32 $0x800, s18  }
0x32: {  	v2 =	vld.idx.msk [tilespmem:v0+s17+$0x10 ss:$0x1], $0xffff;
	[tilespmem:s18+$0x30] =	vst v7  }
0x33: {  	[tilespmem:s18+$0xFFFFFFC0] =	vst v8;
	v6 =	vld.idx.msk [tilespmem:v0+s17+$0x20 ss:$0x1], $0xffff;
	s17 =	sshra.s32 s19, $0x2;
	s19 =	sadd.s32 $0x200, s19  }
0x34: {  	_ =	sdelay $0x2  }
0x35: {  	[tilespmem:s18+$0xFFFFFFD0] =	vst v5  }
0x36: {  	v56 =	vld.idx.msk [tilespmem:v0+s17+$0x30 ss:$0x1], $0xffff;
	[tilespmem:s18+$0xFFFFFFE0] =	vst v4  }
0x37: {  	v57 =	vld.idx.msk [tilespmem:v0+s17+$0xFFFFFFC0 ss:$0x1], $0xffff;
	[tilespmem:s18+$0xFFFFFFF0] =	vst v3  }
0x38: {  	v58 =	vld.idx.msk [tilespmem:v0+s17+$0xFFFFFFD0 ss:$0x1], $0xffff;
	[tilespmem:s18+$0x0] =	vst v1  }
0x39: {  	v59 =	vld.idx.msk [tilespmem:v0+s17+$0xFFFFFFE0 ss:$0x1], $0xffff;
	[tilespmem:s18+$0x10] =	vst v2  }
0x3a: {  	v60 =	vld.idx.msk [tilespmem:v0+s17+$0xFFFFFFF0 ss:$0x1], $0xffff;
	s31 =	sadd.s32 $0x800, s18;
	[tilespmem:s18+$0x20] =	vst v6  }
0x3b: {  	v61 =	vld.idx.msk [tilespmem:v0+s17+$0x0 ss:$0x1], $0xffff;
	[tilespmem:s31+$0x30] =	vst v56  }
0x3c: {  	v62 =	vld.idx.msk [tilespmem:v0+s17+$0x10 ss:$0x1], $0xffff;
	s16 =	sadd.s32 $0x1, s16;
	[tilespmem:s31+$0xFFFFFFC0] =	vst v57  }
0x3d: {  	v63 =	vld.idx.msk [tilespmem:v0+s17+$0x20 ss:$0x1], $0xffff;
	p1 =	sne.s32 s16, $0x10;
	[tilespmem:s31+$0xFFFFFFD0] =	vst v58  }
.Ltmp4:
0x3e: {  	[tilespmem:s31+$0xFFFFFFE0] =	vst v59;
	(pc) =	sbr.rel @p1 .LBB1_3-.Ltmp4, $4  }
0x3f: {  	[tilespmem:s31+$0xFFFFFFF0] =	vst v60  }
0x40: {  	[tilespmem:s31+$0x0] =	vst v61  }
0x41: {  	[tilespmem:s31+$0x10] =	vst v62  }
0x42: {  	s13 =	sadd.s32 $0x80, s13;
	s15 =	sadd.s32 $0x400, s15;
	[tilespmem:s31+$0x20] =	vst v63  }
.Ltmp5:
0x43: {  	(pc) =	sbr.rel .LBB1_7-.Ltmp5, $4  }
0x44: {  	s12 =	sshll.u32 s12, $0xC;
	s11 =	sshll.u32 s11, $0x4  }
0x45: {  	s11 =	sand.u32 $0x1F0, s11;
	s12 =	sadd.s32 s3, s12  }
0x46: {  	s11 =	sadd.s32 s11, s12  }
0x47: {  	[hbm4b:s11+s6] =	stream.strided.scatter [tilespmem:s14], [sflag:$0x2], $0x4000, s7, s6, $0x38;
	[tilespmem:$0x10000] =	vst v63  }
.LBB1_8:
0x48: {  	_ =	sfence.sel $0x180000  }
0x49: {  	s2 =	simm.s32 $0x1;
	[bflag:$0x0] =	sbarrier.arrive $0xFFFF  }
0x4a: {  	s31 =	simm.s32 $0x2;
	[sflag:s2] =	ssyncpa.u1 $0x1  }
0x4b: {  	[sflag:s31] =	ssyncpa.u1 $0x1  }
0x4c: {  	p0 =	sne.s32 s1, $0x0;
	_ =	strace $0x90000047  }
0x4d: {  	s0 =	sadd.s32 @!p0 $0x100000, s0;
	[bflag:$0x2] =	sbarrier.arrive $0xFFFF  }
0x4e: {  	[sflag:s0] =	ssyncadd.tile.s32 @!p0 $0x1;
	_ =	shalt  }
.Lfunc_end1:
_tile_overlayer_lowered:
.L_overlay_start_2:
0x4f: {  	(tag) =	ssettag $0x2  }
0x50: {  	s0 =	rddreg [dreg:$0x0];
	s2 =	stileid.u32  }
0x51: {  	s1 =	rddreg [dreg:$0x1];
	p0 =	sne.s32 s2, $0x0  }
0x52: {  	s3 =	rddreg [dreg:$0x2];
	[bflag:$0x3] =	sbarrier.arrive $0xFFFF;
	s2 =	simm.s32 @!p0 $0x1C01  }
0x53: {  	[timem:s3], [sflag:s2] =	dma.local @!p0 [hbm:s0], s1  }
0x54: {  	s0 =	simm.s32 @!p0 $0x1  }
0x55: {  	_ =	swait.ge @!p0 [sflag:s0], s1  }
0x56: {  	s1 =	ssub.s32 @!p0 $0x0, s1;
	[sflag:s0] =	ssyncset.done @!p0 $0x0  }
0x57: {  	[sflag:s0] =	ssyncadd.s32 @!p0 s1  }
0x58: {  	[bflag:$0x3] =	sbarrier.arrive $0xFFFF  }
0x59: {  	_ =	shalt  }

</sc_bundles>
